<compile_context>
chip_gen: v7x
topology: tpu7x:2x2x1
jax: 0.10.2.dev20260603
libtpu: 0.0.44.dev20260713+nightly
codegen_flags: <defaults>
</compile_context>

<pallas_src>
import jax
import jax.numpy as jnp
from jax import lax
from jax.experimental import pallas as pl

N = 20000
NUM_CLASS = 3
PRE_MAX = 4096
POST_MAX = 500
SCORE_THRESH = 0.1
NMS_THRESH = 0.5

B = 512
NB = PRE_MAX // B


def _iou(cx1, cx2, cy1, cy2, ca, rx1, rx2, ry1, ry2, ra):
    iw = jnp.maximum(jnp.minimum(cx2, rx2) - jnp.maximum(cx1, rx1), 0.0)
    ih = jnp.maximum(jnp.minimum(cy2, ry2) - jnp.maximum(cy1, ry1), 0.0)
    inter = iw * ih
    union = ca + ra - inter
    return inter / jnp.maximum(union, 1e-6)


def _iou_gt(*args):
    return _iou(*args) > NMS_THRESH


def _nms_body(x1r, x2r, y1r, y2r, ar, valid, keep_ref):
    keep_ref[...] = valid[...]
    d = (lax.broadcasted_iota(jnp.int32, (B, B), 1)
         - lax.broadcasted_iota(jnp.int32, (B, B), 0))

    def block_step(b, _):
        rx1 = x1r[pl.ds(b, 1), :]
        rx2 = x2r[pl.ds(b, 1), :]
        ry1 = y1r[pl.ds(b, 1), :]
        ry2 = y2r[pl.ds(b, 1), :]
        ra = ar[pl.ds(b, 1), :]
        cx1v = jnp.transpose(rx1)
        cx2v = jnp.transpose(rx2)
        cx1 = jnp.broadcast_to(cx1v, (B, B))
        cx2 = jnp.broadcast_to(cx2v, (B, B))
        cy1 = jnp.broadcast_to(jnp.transpose(ry1), (B, B))
        cy2 = jnp.broadcast_to(jnp.transpose(ry2), (B, B))
        ca = jnp.broadcast_to(jnp.transpose(ra), (B, B))

        iou_tri = jnp.where(
            d > 0, _iou(cx1, cx2, cy1, cy2, ca, rx1, rx2, ry1, ry2, ra), 0.0)
        v = keep_ref[pl.ds(b, 1), :]

        def cond(c):
            return c[1]

        def body(c):
            k = c[0]
            kc = jnp.broadcast_to(jnp.transpose(k), (B, B)) > 0.5
            supp = jnp.max(jnp.where(kc, iou_tri, 0.0), axis=0,
                           keepdims=True)
            kn = jnp.where(supp > NMS_THRESH, 0.0, v)
            return kn, jnp.any(kn != k)

        k, _ = lax.while_loop(cond, body, (v, True))
        keep_ref[pl.ds(b, 1), :] = k

        kc = jnp.transpose(k) > 0.5
        cx1k = jnp.broadcast_to(jnp.where(kc, cx1v, cx2v + 1.0), (B, B))
        for cb in range(1, NB):
            @pl.when(b < cb)
            def _():
                iou = _iou(cx1k, cx2, cy1, cy2, ca,
                           x1r[cb:cb + 1, :], x2r[cb:cb + 1, :],
                           y1r[cb:cb + 1, :], y2r[cb:cb + 1, :],
                           ar[cb:cb + 1, :])
                supp = jnp.max(iou, axis=0, keepdims=True)
                keep_ref[cb:cb + 1, :] = jnp.where(
                    supp > NMS_THRESH, 0.0, keep_ref[cb:cb + 1, :])
        return 0

    lax.fori_loop(0, NB, block_step, 0)


_nms_call = pl.pallas_call(
    _nms_body,
    out_shape=jax.ShapeDtypeStruct((NB, B), jnp.float32),
)


def kernel(box_preds, cls_preds):
    rank_scores = jnp.max(cls_preds, axis=-1)
    scores = jax.nn.sigmoid(rank_scores)
    top_scores, top_idx = lax.top_k(scores, PRE_MAX)
    top_boxes = box_preds[top_idx]

    c = jnp.abs(jnp.cos(top_boxes[:, 6]))
    s = jnp.abs(jnp.sin(top_boxes[:, 6]))
    dx = jnp.abs(top_boxes[:, 3])
    dy = jnp.abs(top_boxes[:, 4])
    hx = 0.5 * (dx * c + dy * s)
    hy = 0.5 * (dx * s + dy * c)
    x1 = top_boxes[:, 0] - hx
    x2 = top_boxes[:, 0] + hx
    y1 = top_boxes[:, 1] - hy
    y2 = top_boxes[:, 1] + hy
    area = (x2 - x1) * (y2 - y1)

    x1r = x1.reshape(NB, B)
    x2r = x2.reshape(NB, B)
    y1r = y1.reshape(NB, B)
    y2r = y2.reshape(NB, B)
    ar = area.reshape(NB, B)
    valid = (top_scores > SCORE_THRESH).astype(jnp.float32).reshape(NB, B)

    keep = _nms_call(x1r, x2r, y1r, y2r, ar, valid)
    keepb = keep.reshape(PRE_MAX) > 0.5

    sel_scores = jnp.where(keepb, top_scores, -1.0)
    final_scores, sel = lax.top_k(sel_scores, POST_MAX)
    final_boxes = box_preds[top_idx[sel]]
    return jnp.concatenate([final_boxes, final_scores[:, None]], axis=-1)

# --- scband reference (transcript-rebuilt; emitter-appended) ---
"""Pipeline reference for scband-detector3-d-16355235463874 (READ-ONLY COPY).

The authoritative reference and input builder live on the scoring server;
editing this copy changes nothing except your own understanding.
"""

import jax, jax.numpy as jnp
import numpy as np

N = 20000
NUM_CLASS = 3
PRE_MAX = 4096
POST_MAX = 500
SCORE_THRESH = 0.1
NMS_THRESH = 0.5


def setup_inputs(seed: int = 0) -> dict:
    key = jax.random.key(seed)
    k1, k2, k3, k4 = jax.random.split(key, 4)
    centers = jax.random.uniform(k1, (N, 3), minval=-40.0, maxval=40.0)
    dims = jax.random.uniform(k2, (N, 3), minval=0.5, maxval=4.0)
    ry = jax.random.uniform(k3, (N, 1), minval=-np.pi, maxval=np.pi)
    box_preds = jnp.concatenate([centers, dims, ry], axis=-1).astype(jnp.float32)
    cls_preds = jax.random.normal(k4, (N, NUM_CLASS), dtype=jnp.float32)
    return {"box_preds": box_preds, "cls_preds": cls_preds}


def _bev_iou_matrix(boxes):
    # boxes: (M, 7) [x, y, z, dx, dy, dz, ry] -> axis-aligned enclosing BEV IoU
    c = jnp.abs(jnp.cos(boxes[:, 6]))
    s = jnp.abs(jnp.sin(boxes[:, 6]))
    hx = 0.5 * (jnp.abs(boxes[:, 3]) * c + jnp.abs(boxes[:, 4]) * s)
    hy = 0.5 * (jnp.abs(boxes[:, 3]) * s + jnp.abs(boxes[:, 4]) * c)
    x1 = boxes[:, 0] - hx
    x2 = boxes[:, 0] + hx
    y1 = boxes[:, 1] - hy
    y2 = boxes[:, 1] + hy
    area = (x2 - x1) * (y2 - y1)
    iw = jnp.maximum(jnp.minimum(x2[:, None], x2[None, :]) - jnp.maximum(x1[:, None], x1[None, :]), 0.0)
    ih = jnp.maximum(jnp.minimum(y2[:, None], y2[None, :]) - jnp.maximum(y1[:, None], y1[None, :]), 0.0)
    inter = iw * ih
    union = area[:, None] + area[None, :] - inter
    return inter / jnp.maximum(union, 1e-6)


def reference(box_preds, cls_preds):
    # class-agnostic NMS path of Detector3D.post_processing
    rank_scores = jnp.max(cls_preds, axis=-1)
    normalized_scores = jax.nn.sigmoid(rank_scores)
    # pre-NMS top-k by normalized score
    order = jnp.argsort(-normalized_scores)
    top_idx = order[:PRE_MAX]
    top_scores = normalized_scores[top_idx]
    top_boxes = box_preds[top_idx]
    # pairwise BEV IoU (compute-heavy: PRE_MAX x PRE_MAX)
    iou = _bev_iou_matrix(jax.lax.stop_gradient(top_boxes))
    suppress = iou > NMS_THRESH
    valid = jax.lax.stop_gradient(top_scores) > SCORE_THRESH
    idxs = jnp.arange(PRE_MAX)

    def body(i, keep):
        cur = keep[i] & valid[i]
        row = suppress[i] & (idxs > i)
        return jnp.where(cur, keep & (~row), keep)

    keep = jax.lax.fori_loop(0, PRE_MAX, body, valid)
    sel_scores = jnp.where(keep, top_scores, -1.0)
    final_scores, sel = jax.lax.top_k(sel_scores, POST_MAX)
    final_boxes = top_boxes[sel]
    # fixed-size output: [POST_MAX, 8] = boxes(7) + score(1); unkept slots have score -1
    return jnp.concatenate([final_boxes, final_scores[:, None]], axis=-1)

if __name__ == "__main__":
    import jax
    _d = setup_inputs()
    print(jax.jit(kernel)(*tuple(_d.values())))

</pallas_src>

<mosaic_0001>
module attributes {stable_mosaic.version = 14 : i64} {
  func.func @_nms_body(%arg0: memref<8x512xf32, #tpu.memory_space<vmem>>, %arg1: memref<8x512xf32, #tpu.memory_space<vmem>>, %arg2: memref<8x512xf32, #tpu.memory_space<vmem>>, %arg3: memref<8x512xf32, #tpu.memory_space<vmem>>, %arg4: memref<8x512xf32, #tpu.memory_space<vmem>>, %arg5: memref<8x512xf32, #tpu.memory_space<vmem>>, %arg6: memref<8x512xf32, #tpu.memory_space<vmem>>) attributes {dimension_semantics = [], scalar_prefetch = 0 : i64, scratch_operands = 0 : i64, tpu.core_type = #tpu.core_type<tc>} {
    %get3A = arith.constant 0 : index
    %get3A_0 = arith.constant 0 : index
    %get3A_1 = vector.load %arg5[%get3A, %get3A_0] : memref<8x512xf32, #tpu.memory_space<vmem>>, vector<8x512xf32>
    %swap3A = arith.constant 0 : index
    %swap3A_2 = arith.constant 0 : index
    %swap3A_3 = vector.load %arg6[%swap3A, %swap3A_2] : memref<8x512xf32, #tpu.memory_space<vmem>>, vector<8x512xf32>
    tpu.vector_store %arg6[%swap3A, %swap3A_2], %get3A_1 {strides = array<i32>} : memref<8x512xf32, #tpu.memory_space<vmem>>, vector<8x512xf32>,
    %iota3A = tpu.iota {dimensions = array<i32: 1>} : vector<512x512xi32>
    %iota3A_4 = tpu.iota {dimensions = array<i32: 0>} : vector<512x512xi32>
    %sub3A = arith.subi %iota3A, %iota3A_4 : vector<512x512xi32>
    %scan3A = arith.constant 0 : i32
    %scan3A_5 = arith.constant 8 : i32
    %scan3A_6 = arith.addi %scan3A, %scan3A_5 : i32
    %scan3A_7 = arith.constant 1 : i32
    scf.for %scan3A_9 = %scan3A to %scan3A_6 step %scan3A_7  : i32 {
      %get3A_10 = arith.index_cast %scan3A_9 : i32 to index
      %get3A_11 = arith.constant 0 : index
      %get3A_12 = vector.load %arg0[%get3A_10, %get3A_11] : memref<8x512xf32, #tpu.memory_space<vmem>>, vector<1x512xf32>
      %get3A_13 = arith.index_cast %scan3A_9 : i32 to index
      %get3A_14 = arith.constant 0 : index
      %get3A_15 = vector.load %arg1[%get3A_13, %get3A_14] : memref<8x512xf32, #tpu.memory_space<vmem>>, vector<1x512xf32>
      %get3A_16 = arith.index_cast %scan3A_9 : i32 to index
      %get3A_17 = arith.constant 0 : index
      %get3A_18 = vector.load %arg2[%get3A_16, %get3A_17] : memref<8x512xf32, #tpu.memory_space<vmem>>, vector<1x512xf32>
      %get3A_19 = arith.index_cast %scan3A_9 : i32 to index
      %get3A_20 = arith.constant 0 : index
      %get3A_21 = vector.load %arg3[%get3A_19, %get3A_20] : memref<8x512xf32, #tpu.memory_space<vmem>>, vector<1x512xf32>
      %get3A_22 = arith.index_cast %scan3A_9 : i32 to index
      %get3A_23 = arith.constant 0 : index
      %get3A_24 = vector.load %arg4[%get3A_22, %get3A_23] : memref<8x512xf32, #tpu.memory_space<vmem>>, vector<1x512xf32>
      %transpose3A = tpu.transpose %get3A_12, [1, 0] : vector<1x512xf32> -> vector<512x1xf32>
      %transpose3A_25 = tpu.transpose %get3A_15, [1, 0] : vector<1x512xf32> -> vector<512x1xf32>
      %broadcast_in_dim3A = vector.shape_cast %transpose3A : vector<512x1xf32> to vector<512x1xf32>
      %broadcast_in_dim3A_26 = vector.broadcast %broadcast_in_dim3A : vector<512x1xf32> to vector<512x512xf32>
      %broadcast_in_dim3A_27 = vector.shape_cast %transpose3A_25 : vector<512x1xf32> to vector<512x1xf32>
      %broadcast_in_dim3A_28 = vector.broadcast %broadcast_in_dim3A_27 : vector<512x1xf32> to vector<512x512xf32>
      %transpose3A_29 = tpu.transpose %get3A_18, [1, 0] : vector<1x512xf32> -> vector<512x1xf32>
      %broadcast_in_dim3A_30 = vector.shape_cast %transpose3A_29 : vector<512x1xf32> to vector<512x1xf32>
      %broadcast_in_dim3A_31 = vector.broadcast %broadcast_in_dim3A_30 : vector<512x1xf32> to vector<512x512xf32>
      %transpose3A_32 = tpu.transpose %get3A_21, [1, 0] : vector<1x512xf32> -> vector<512x1xf32>
      %broadcast_in_dim3A_33 = vector.shape_cast %transpose3A_32 : vector<512x1xf32> to vector<512x1xf32>
      %broadcast_in_dim3A_34 = vector.broadcast %broadcast_in_dim3A_33 : vector<512x1xf32> to vector<512x512xf32>
      %transpose3A_35 = tpu.transpose %get3A_24, [1, 0] : vector<1x512xf32> -> vector<512x1xf32>
      %broadcast_in_dim3A_36 = vector.shape_cast %transpose3A_35 : vector<512x1xf32> to vector<512x1xf32>
      %broadcast_in_dim3A_37 = vector.broadcast %broadcast_in_dim3A_36 : vector<512x1xf32> to vector<512x512xf32>
      %gt3A = arith.constant 0 : i32
      %gt3A_38 = vector.broadcast %gt3A : i32 to vector<512x512xi32>
      %gt3A_39 = arith.cmpi sgt, %sub3A, %gt3A_38 : vector<512x512xi32>
      %min3A = vector.broadcast %get3A_15 : vector<1x512xf32> to vector<512x512xf32>
      %min3A_40 = arith.minimumf %broadcast_in_dim3A_28, %min3A : vector<512x512xf32>
      %max3A = vector.broadcast %get3A_12 : vector<1x512xf32> to vector<512x512xf32>
      %max3A_41 = arith.maximumf %broadcast_in_dim3A_26, %max3A : vector<512x512xf32>
      %sub3A_42 = arith.subf %min3A_40, %max3A_41 : vector<512x512xf32>
      %max3A_43 = arith.constant 0.000000e+00 : f32
      %max3A_44 = vector.broadcast %max3A_43 : f32 to vector<512x512xf32>
      %max3A_45 = arith.maximumf %sub3A_42, %max3A_44 : vector<512x512xf32>
      %min3A_46 = vector.broadcast %get3A_21 : vector<1x512xf32> to vector<512x512xf32>
      %min3A_47 = arith.minimumf %broadcast_in_dim3A_34, %min3A_46 : vector<512x512xf32>
      %max3A_48 = vector.broadcast %get3A_18 : vector<1x512xf32> to vector<512x512xf32>
      %max3A_49 = arith.maximumf %broadcast_in_dim3A_31, %max3A_48 : vector<512x512xf32>
      %sub3A_50 = arith.subf %min3A_47, %max3A_49 : vector<512x512xf32>
      %max3A_51 = arith.constant 0.000000e+00 : f32
      %max3A_52 = vector.broadcast %max3A_51 : f32 to vector<512x512xf32>
      %max3A_53 = arith.maximumf %sub3A_50, %max3A_52 : vector<512x512xf32>
      %mul3A = arith.mulf %max3A_45, %max3A_53 : vector<512x512xf32>
      %add3A = vector.broadcast %get3A_24 : vector<1x512xf32> to vector<512x512xf32>
      %add3A_54 = arith.addf %broadcast_in_dim3A_37, %add3A : vector<512x512xf32>
      %sub3A_55 = arith.subf %add3A_54, %mul3A : vector<512x512xf32>
      %max3A_56 = arith.constant 9.99999997E-7 : f32
      %max3A_57 = vector.broadcast %max3A_56 : f32 to vector<512x512xf32>
      %max3A_58 = arith.maximumf %sub3A_55, %max3A_57 : vector<512x512xf32>
      %div3A = arith.divf %mul3A, %max3A_58 : vector<512x512xf32>
      %jit3A = arith.constant 0.000000e+00 : f32
      %broadcast_in_dim3A_59 = vector.broadcast %jit3A : f32 to vector<512x512xf32>
      %select_n3A = arith.select %gt3A_39, %div3A, %broadcast_in_dim3A_59 : vector<512x512xi1>, vector<512x512xf32>
      %get3A_60 = arith.index_cast %scan3A_9 : i32 to index
      %get3A_61 = arith.constant 0 : index
      %get3A_62 = vector.load %arg6[%get3A_60, %get3A_61] : memref<8x512xf32, #tpu.memory_space<vmem>>, vector<1x512xf32>
      %while3A = arith.constant true
      %while3A_63:2 = scf.while (%while3A_109 = %get3A_62, %while3A_110 = %while3A) : (vector<1x512xf32>, i1) -> (vector<1x512xf32>, i1) {
        scf.condition(%while3A_110) %while3A_109, %while3A_110 : vector<1x512xf32>, i1
      } do {
      ^bb0(%while3A_109: vector<1x512xf32>, %while3A_110: i1):
        %transpose3A_111 = tpu.transpose %while3A_109, [1, 0] : vector<1x512xf32> -> vector<512x1xf32>
        %broadcast_in_dim3A_112 = vector.shape_cast %transpose3A_111 : vector<512x1xf32> to vector<512x1xf32>
        %broadcast_in_dim3A_113 = vector.broadcast %broadcast_in_dim3A_112 : vector<512x1xf32> to vector<512x512xf32>
        %gt3A_114 = arith.constant 5.000000e-01 : f32
        %gt3A_115 = vector.broadcast %gt3A_114 : f32 to vector<512x512xf32>
        %gt3A_116 = arith.cmpf ogt, %broadcast_in_dim3A_113, %gt3A_115 : vector<512x512xf32>
        %jit3A_117 = arith.constant 0.000000e+00 : f32
        %broadcast_in_dim3A_118 = vector.broadcast %jit3A_117 : f32 to vector<512x512xf32>
        %select_n3A_119 = arith.select %gt3A_116, %select_n3A, %broadcast_in_dim3A_118 : vector<512x512xi1>, vector<512x512xf32>
        %reduce_max3A = arith.constant dense<0xFF800000> : vector<512xf32>
        %reduce_max3A_120 = vector.multi_reduction <maximumf>, %select_n3A_119, %reduce_max3A [0] : vector<512x512xf32> to vector<512xf32>
        %broadcast_in_dim3A_121 = vector.shape_cast %reduce_max3A_120 : vector<512xf32> to vector<1x512xf32>
        %gt3A_122 = arith.constant 5.000000e-01 : f32
        %gt3A_123 = vector.broadcast %gt3A_122 : f32 to vector<1x512xf32>
        %gt3A_124 = arith.cmpf ogt, %broadcast_in_dim3A_121, %gt3A_123 : vector<1x512xf32>
        %jit3A_125 = arith.constant 0.000000e+00 : f32
        %broadcast_in_dim3A_126 = vector.broadcast %jit3A_125 : f32 to vector<1x512xf32>
        %select_n3A_127 = arith.select %gt3A_124, %broadcast_in_dim3A_126, %get3A_62 : vector<1x512xi1>, vector<1x512xf32>
        %ne3A = arith.cmpf one, %select_n3A_127, %while3A_109 : vector<1x512xf32>
        %reduce_or3A = arith.constant 1.000000e+00 : f32
        %reduce_or3A_128 = arith.constant 0.000000e+00 : f32
        %reduce_or3A_129 = vector.broadcast %reduce_or3A : f32 to vector<1x512xf32>
        %reduce_or3A_130 = vector.broadcast %reduce_or3A_128 : f32 to vector<1x512xf32>
        %reduce_or3A_131 = arith.select %ne3A, %reduce_or3A_129, %reduce_or3A_130 : vector<1x512xi1>, vector<1x512xf32>
        %reduce_or3A_132 = vector.shape_cast %reduce_or3A_131 : vector<1x512xf32> to vector<1x1x512xf32>
        %reduce_or3A_133 = arith.constant dense<0xFF800000> : vector<1xf32>
        %reduce_or3A_134 = vector.multi_reduction <maximumf>, %reduce_or3A_132, %reduce_or3A_133 [1, 2] : vector<1x1x512xf32> to vector<1xf32>
        %reduce_or3A_135 = vector.shape_cast %reduce_or3A_134 : vector<1xf32> to vector<1x1x1xf32>
        %reduce_or3A_136 = vector.extract %reduce_or3A_135[0, 0, 0] : f32 from vector<1x1x1xf32>
        %reduce_or3A_137 = arith.constant 0.000000e+00 : f32
        %reduce_or3A_138 = arith.cmpf ogt, %reduce_or3A_136, %reduce_or3A_137 : f32
        scf.yield %select_n3A_127, %reduce_or3A_138 : vector<1x512xf32>, i1
      }
      %swap3A_64 = arith.index_cast %scan3A_9 : i32 to index
      %swap3A_65 = arith.constant 0 : index
      %swap3A_66 = vector.load %arg6[%swap3A_64, %swap3A_65] : memref<8x512xf32, #tpu.memory_space<vmem>>, vector<1x512xf32>
      tpu.vector_store %arg6[%swap3A_64, %swap3A_65], %while3A_63#0 {strides = array<i32>} : memref<8x512xf32, #tpu.memory_space<vmem>>, vector<1x512xf32>,
      %transpose3A_67 = tpu.transpose %while3A_63#0, [1, 0] : vector<1x512xf32> -> vector<512x1xf32>
      %gt3A_68 = arith.constant 5.000000e-01 : f32
      %gt3A_69 = vector.broadcast %gt3A_68 : f32 to vector<512x1xf32>
      %gt3A_70 = arith.cmpf ogt, %transpose3A_67, %gt3A_69 : vector<512x1xf32>
      %add3A_71 = arith.constant 1.000000e+00 : f32
      %add3A_72 = vector.broadcast %add3A_71 : f32 to vector<512x1xf32>
      %add3A_73 = arith.addf %transpose3A_25, %add3A_72 : vector<512x1xf32>
      %select_n3A_74 = arith.select %gt3A_70, %transpose3A, %add3A_73 : vector<512x1xi1>, vector<512x1xf32>
      %broadcast_in_dim3A_75 = vector.shape_cast %select_n3A_74 : vector<512x1xf32> to vector<512x1xf32>
      %broadcast_in_dim3A_76 = vector.broadcast %broadcast_in_dim3A_75 : vector<512x1xf32> to vector<512x512xf32>
      %lt3A = arith.constant 1 : i32
      %lt3A_77 = arith.cmpi slt, %scan3A_9, %lt3A : i32
      %convert_element_type3A = arith.extui %lt3A_77 : i1 to i32
      %cond3A = arith.constant 0 : i32
      %cond3A_78 = arith.cmpi ne, %convert_element_type3A, %cond3A : i32
      scf.if %cond3A_78 {
        %get3A_109 = arith.constant 1 : index
        %get3A_110 = arith.constant 0 : index
        %get3A_111 = vector.load %arg0[%get3A_109, %get3A_110] : memref<8x512xf32, #tpu.memory_space<vmem>>, vector<1x512xf32>
        %get3A_112 = arith.constant 1 : index
        %get3A_113 = arith.constant 0 : index
        %get3A_114 = vector.load %arg1[%get3A_112, %get3A_113] : memref<8x512xf32, #tpu.memory_space<vmem>>, vector<1x512xf32>
        %get3A_115 = arith.constant 1 : index
        %get3A_116 = arith.constant 0 : index
        %get3A_117 = vector.load %arg2[%get3A_115, %get3A_116] : memref<8x512xf32, #tpu.memory_space<vmem>>, vector<1x512xf32>
        %get3A_118 = arith.constant 1 : index
        %get3A_119 = arith.constant 0 : index
        %get3A_120 = vector.load %arg3[%get3A_118, %get3A_119] : memref<8x512xf32, #tpu.memory_space<vmem>>, vector<1x512xf32>
        %get3A_121 = arith.constant 1 : index
        %get3A_122 = arith.constant 0 : index
        %get3A_123 = vector.load %arg4[%get3A_121, %get3A_122] : memref<8x512xf32, #tpu.memory_space<vmem>>, vector<1x512xf32>
        %min3A_124 = vector.broadcast %get3A_114 : vector<1x512xf32> to vector<512x512xf32>
        %min3A_125 = arith.minimumf %broadcast_in_dim3A_28, %min3A_124 : vector<512x512xf32>
        %max3A_126 = vector.broadcast %get3A_111 : vector<1x512xf32> to vector<512x512xf32>
        %max3A_127 = arith.maximumf %broadcast_in_dim3A_76, %max3A_126 : vector<512x512xf32>
        %sub3A_128 = arith.subf %min3A_125, %max3A_127 : vector<512x512xf32>
        %max3A_129 = arith.constant 0.000000e+00 : f32
        %max3A_130 = vector.broadcast %max3A_129 : f32 to vector<512x512xf32>
        %max3A_131 = arith.maximumf %sub3A_128, %max3A_130 : vector<512x512xf32>
        %min3A_132 = vector.broadcast %get3A_120 : vector<1x512xf32> to vector<512x512xf32>
        %min3A_133 = arith.minimumf %broadcast_in_dim3A_34, %min3A_132 : vector<512x512xf32>
        %max3A_134 = vector.broadcast %get3A_117 : vector<1x512xf32> to vector<512x512xf32>
        %max3A_135 = arith.maximumf %broadcast_in_dim3A_31, %max3A_134 : vector<512x512xf32>
        %sub3A_136 = arith.subf %min3A_133, %max3A_135 : vector<512x512xf32>
        %max3A_137 = arith.constant 0.000000e+00 : f32
        %max3A_138 = vector.broadcast %max3A_137 : f32 to vector<512x512xf32>
        %max3A_139 = arith.maximumf %sub3A_136, %max3A_138 : vector<512x512xf32>
        %mul3A_140 = arith.mulf %max3A_131, %max3A_139 : vector<512x512xf32>
        %add3A_141 = vector.broadcast %get3A_123 : vector<1x512xf32> to vector<512x512xf32>
        %add3A_142 = arith.addf %broadcast_in_dim3A_37, %add3A_141 : vector<512x512xf32>
        %sub3A_143 = arith.subf %add3A_142, %mul3A_140 : vector<512x512xf32>
        %max3A_144 = arith.constant 9.99999997E-7 : f32
        %max3A_145 = vector.broadcast %max3A_144 : f32 to vector<512x512xf32>
        %max3A_146 = arith.maximumf %sub3A_143, %max3A_145 : vector<512x512xf32>
        %div3A_147 = arith.divf %mul3A_140, %max3A_146 : vector<512x512xf32>
        %reduce_max3A = arith.constant dense<0xFF800000> : vector<512xf32>
        %reduce_max3A_148 = vector.multi_reduction <maximumf>, %div3A_147, %reduce_max3A [0] : vector<512x512xf32> to vector<512xf32>
        %broadcast_in_dim3A_149 = vector.shape_cast %reduce_max3A_148 : vector<512xf32> to vector<1x512xf32>
        %gt3A_150 = arith.constant 5.000000e-01 : f32
        %gt3A_151 = vector.broadcast %gt3A_150 : f32 to vector<1x512xf32>
        %gt3A_152 = arith.cmpf ogt, %broadcast_in_dim3A_149, %gt3A_151 : vector<1x512xf32>
        %get3A_153 = arith.constant 1 : index
        %get3A_154 = arith.constant 0 : index
        %get3A_155 = vector.load %arg6[%get3A_153, %get3A_154] : memref<8x512xf32, #tpu.memory_space<vmem>>, vector<1x512xf32>
        %jit3A_156 = arith.constant 0.000000e+00 : f32
        %broadcast_in_dim3A_157 = vector.broadcast %jit3A_156 : f32 to vector<1x512xf32>
        %select_n3A_158 = arith.select %gt3A_152, %broadcast_in_dim3A_157, %get3A_155 : vector<1x512xi1>, vector<1x512xf32>
        %swap3A_159 = arith.constant 1 : index
        %swap3A_160 = arith.constant 0 : index
        %swap3A_161 = vector.load %arg6[%swap3A_159, %swap3A_160] : memref<8x512xf32, #tpu.memory_space<vmem>>, vector<1x512xf32>
        tpu.vector_store %arg6[%swap3A_159, %swap3A_160], %select_n3A_158 {strides = array<i32>} : memref<8x512xf32, #tpu.memory_space<vmem>>, vector<1x512xf32>,
      } else {
      }
      %lt3A_79 = arith.constant 2 : i32
      %lt3A_80 = arith.cmpi slt, %scan3A_9, %lt3A_79 : i32
      %convert_element_type3A_81 = arith.extui %lt3A_80 : i1 to i32
      %cond3A_82 = arith.constant 0 : i32
      %cond3A_83 = arith.cmpi ne, %convert_element_type3A_81, %cond3A_82 : i32
      scf.if %cond3A_83 {
        %get3A_109 = arith.constant 2 : index
        %get3A_110 = arith.constant 0 : index
        %get3A_111 = vector.load %arg0[%get3A_109, %get3A_110] : memref<8x512xf32, #tpu.memory_space<vmem>>, vector<1x512xf32>
        %get3A_112 = arith.constant 2 : index
        %get3A_113 = arith.constant 0 : index
        %get3A_114 = vector.load %arg1[%get3A_112, %get3A_113] : memref<8x512xf32, #tpu.memory_space<vmem>>, vector<1x512xf32>
        %get3A_115 = arith.constant 2 : index
        %get3A_116 = arith.constant 0 : index
        %get3A_117 = vector.load %arg2[%get3A_115, %get3A_116] : memref<8x512xf32, #tpu.memory_space<vmem>>, vector<1x512xf32>
        %get3A_118 = arith.constant 2 : index
        %get3A_119 = arith.constant 0 : index
        %get3A_120 = vector.load %arg3[%get3A_118, %get3A_119] : memref<8x512xf32, #tpu.memory_space<vmem>>, vector<1x512xf32>
        %get3A_121 = arith.constant 2 : index
        %get3A_122 = arith.constant 0 : index
        %get3A_123 = vector.load %arg4[%get3A_121, %get3A_122] : memref<8x512xf32, #tpu.memory_space<vmem>>, vector<1x512xf32>
        %min3A_124 = vector.broadcast %get3A_114 : vector<1x512xf32> to vector<512x512xf32>
        %min3A_125 = arith.minimumf %broadcast_in_dim3A_28, %min3A_124 : vector<512x512xf32>
        %max3A_126 = vector.broadcast %get3A_111 : vector<1x512xf32> to vector<512x512xf32>
        %max3A_127 = arith.maximumf %broadcast_in_dim3A_76, %max3A_126 : vector<512x512xf32>
        %sub3A_128 = arith.subf %min3A_125, %max3A_127 : vector<512x512xf32>
        %max3A_129 = arith.constant 0.000000e+00 : f32
        %max3A_130 = vector.broadcast %max3A_129 : f32 to vector<512x512xf32>
        %max3A_131 = arith.maximumf %sub3A_128, %max3A_130 : vector<512x512xf32>
        %min3A_132 = vector.broadcast %get3A_120 : vector<1x512xf32> to vector<512x512xf32>
        %min3A_133 = arith.minimumf %broadcast_in_dim3A_34, %min3A_132 : vector<512x512xf32>
        %max3A_134 = vector.broadcast %get3A_117 : vector<1x512xf32> to vector<512x512xf32>
        %max3A_135 = arith.maximumf %broadcast_in_dim3A_31, %max3A_134 : vector<512x512xf32>
        %sub3A_136 = arith.subf %min3A_133, %max3A_135 : vector<512x512xf32>
        %max3A_137 = arith.constant 0.000000e+00 : f32
        %max3A_138 = vector.broadcast %max3A_137 : f32 to vector<512x512xf32>
        %max3A_139 = arith.maximumf %sub3A_136, %max3A_138 : vector<512x512xf32>
        %mul3A_140 = arith.mulf %max3A_131, %max3A_139 : vector<512x512xf32>
        %add3A_141 = vector.broadcast %get3A_123 : vector<1x512xf32> to vector<512x512xf32>
        %add3A_142 = arith.addf %broadcast_in_dim3A_37, %add3A_141 : vector<512x512xf32>
        %sub3A_143 = arith.subf %add3A_142, %mul3A_140 : vector<512x512xf32>
        %max3A_144 = arith.constant 9.99999997E-7 : f32
        %max3A_145 = vector.broadcast %max3A_144 : f32 to vector<512x512xf32>
        %max3A_146 = arith.maximumf %sub3A_143, %max3A_145 : vector<512x512xf32>
        %div3A_147 = arith.divf %mul3A_140, %max3A_146 : vector<512x512xf32>
        %reduce_max3A = arith.constant dense<0xFF800000> : vector<512xf32>
        %reduce_max3A_148 = vector.multi_reduction <maximumf>, %div3A_147, %reduce_max3A [0] : vector<512x512xf32> to vector<512xf32>
        %broadcast_in_dim3A_149 = vector.shape_cast %reduce_max3A_148 : vector<512xf32> to vector<1x512xf32>
        %gt3A_150 = arith.constant 5.000000e-01 : f32
        %gt3A_151 = vector.broadcast %gt3A_150 : f32 to vector<1x512xf32>
        %gt3A_152 = arith.cmpf ogt, %broadcast_in_dim3A_149, %gt3A_151 : vector<1x512xf32>
        %get3A_153 = arith.constant 2 : index
        %get3A_154 = arith.constant 0 : index
        %get3A_155 = vector.load %arg6[%get3A_153, %get3A_154] : memref<8x512xf32, #tpu.memory_space<vmem>>, vector<1x512xf32>
        %jit3A_156 = arith.constant 0.000000e+00 : f32
        %broadcast_in_dim3A_157 = vector.broadcast %jit3A_156 : f32 to vector<1x512xf32>
        %select_n3A_158 = arith.select %gt3A_152, %broadcast_in_dim3A_157, %get3A_155 : vector<1x512xi1>, vector<1x512xf32>
        %swap3A_159 = arith.constant 2 : index
        %swap3A_160 = arith.constant 0 : index
        %swap3A_161 = vector.load %arg6[%swap3A_159, %swap3A_160] : memref<8x512xf32, #tpu.memory_space<vmem>>, vector<1x512xf32>
        tpu.vector_store %arg6[%swap3A_159, %swap3A_160], %select_n3A_158 {strides = array<i32>} : memref<8x512xf32, #tpu.memory_space<vmem>>, vector<1x512xf32>,
      } else {
      }
      %lt3A_84 = arith.constant 3 : i32
      %lt3A_85 = arith.cmpi slt, %scan3A_9, %lt3A_84 : i32
      %convert_element_type3A_86 = arith.extui %lt3A_85 : i1 to i32
      %cond3A_87 = arith.constant 0 : i32
      %cond3A_88 = arith.cmpi ne, %convert_element_type3A_86, %cond3A_87 : i32
      scf.if %cond3A_88 {
        %get3A_109 = arith.constant 3 : index
        %get3A_110 = arith.constant 0 : index
        %get3A_111 = vector.load %arg0[%get3A_109, %get3A_110] : memref<8x512xf32, #tpu.memory_space<vmem>>, vector<1x512xf32>
        %get3A_112 = arith.constant 3 : index
        %get3A_113 = arith.constant 0 : index
        %get3A_114 = vector.load %arg1[%get3A_112, %get3A_113] : memref<8x512xf32, #tpu.memory_space<vmem>>, vector<1x512xf32>
        %get3A_115 = arith.constant 3 : index
        %get3A_116 = arith.constant 0 : index
        %get3A_117 = vector.load %arg2[%get3A_115, %get3A_116] : memref<8x512xf32, #tpu.memory_space<vmem>>, vector<1x512xf32>
        %get3A_118 = arith.constant 3 : index
        %get3A_119 = arith.constant 0 : index
        %get3A_120 = vector.load %arg3[%get3A_118, %get3A_119] : memref<8x512xf32, #tpu.memory_space<vmem>>, vector<1x512xf32>
        %get3A_121 = arith.constant 3 : index
        %get3A_122 = arith.constant 0 : index
        %get3A_123 = vector.load %arg4[%get3A_121, %get3A_122] : memref<8x512xf32, #tpu.memory_space<vmem>>, vector<1x512xf32>
        %min3A_124 = vector.broadcast %get3A_114 : vector<1x512xf32> to vector<512x512xf32>
        %min3A_125 = arith.minimumf %broadcast_in_dim3A_28, %min3A_124 : vector<512x512xf32>
        %max3A_126 = vector.broadcast %get3A_111 : vector<1x512xf32> to vector<512x512xf32>
        %max3A_127 = arith.maximumf %broadcast_in_dim3A_76, %max3A_126 : vector<512x512xf32>
        %sub3A_128 = arith.subf %min3A_125, %max3A_127 : vector<512x512xf32>
        %max3A_129 = arith.constant 0.000000e+00 : f32
        %max3A_130 = vector.broadcast %max3A_129 : f32 to vector<512x512xf32>
        %max3A_131 = arith.maximumf %sub3A_128, %max3A_130 : vector<512x512xf32>
        %min3A_132 = vector.broadcast %get3A_120 : vector<1x512xf32> to vector<512x512xf32>
        %min3A_133 = arith.minimumf %broadcast_in_dim3A_34, %min3A_132 : vector<512x512xf32>
        %max3A_134 = vector.broadcast %get3A_117 : vector<1x512xf32> to vector<512x512xf32>
        %max3A_135 = arith.maximumf %broadcast_in_dim3A_31, %max3A_134 : vector<512x512xf32>
        %sub3A_136 = arith.subf %min3A_133, %max3A_135 : vector<512x512xf32>
        %max3A_137 = arith.constant 0.000000e+00 : f32
        %max3A_138 = vector.broadcast %max3A_137 : f32 to vector<512x512xf32>
        %max3A_139 = arith.maximumf %sub3A_136, %max3A_138 : vector<512x512xf32>
        %mul3A_140 = arith.mulf %max3A_131, %max3A_139 : vector<512x512xf32>
        %add3A_141 = vector.broadcast %get3A_123 : vector<1x512xf32> to vector<512x512xf32>
        %add3A_142 = arith.addf %broadcast_in_dim3A_37, %add3A_141 : vector<512x512xf32>
        %sub3A_143 = arith.subf %add3A_142, %mul3A_140 : vector<512x512xf32>
        %max3A_144 = arith.constant 9.99999997E-7 : f32
        %max3A_145 = vector.broadcast %max3A_144 : f32 to vector<512x512xf32>
        %max3A_146 = arith.maximumf %sub3A_143, %max3A_145 : vector<512x512xf32>
        %div3A_147 = arith.divf %mul3A_140, %max3A_146 : vector<512x512xf32>
        %reduce_max3A = arith.constant dense<0xFF800000> : vector<512xf32>
        %reduce_max3A_148 = vector.multi_reduction <maximumf>, %div3A_147, %reduce_max3A [0] : vector<512x512xf32> to vector<512xf32>
        %broadcast_in_dim3A_149 = vector.shape_cast %reduce_max3A_148 : vector<512xf32> to vector<1x512xf32>
        %gt3A_150 = arith.constant 5.000000e-01 : f32
        %gt3A_151 = vector.broadcast %gt3A_150 : f32 to vector<1x512xf32>
        %gt3A_152 = arith.cmpf ogt, %broadcast_in_dim3A_149, %gt3A_151 : vector<1x512xf32>
        %get3A_153 = arith.constant 3 : index
        %get3A_154 = arith.constant 0 : index
        %get3A_155 = vector.load %arg6[%get3A_153, %get3A_154] : memref<8x512xf32, #tpu.memory_space<vmem>>, vector<1x512xf32>
        %jit3A_156 = arith.constant 0.000000e+00 : f32
        %broadcast_in_dim3A_157 = vector.broadcast %jit3A_156 : f32 to vector<1x512xf32>
        %select_n3A_158 = arith.select %gt3A_152, %broadcast_in_dim3A_157, %get3A_155 : vector<1x512xi1>, vector<1x512xf32>
        %swap3A_159 = arith.constant 3 : index
        %swap3A_160 = arith.constant 0 : index
        %swap3A_161 = vector.load %arg6[%swap3A_159, %swap3A_160] : memref<8x512xf32, #tpu.memory_space<vmem>>, vector<1x512xf32>
        tpu.vector_store %arg6[%swap3A_159, %swap3A_160], %select_n3A_158 {strides = array<i32>} : memref<8x512xf32, #tpu.memory_space<vmem>>, vector<1x512xf32>,
      } else {
      }
      %lt3A_89 = arith.constant 4 : i32
      %lt3A_90 = arith.cmpi slt, %scan3A_9, %lt3A_89 : i32
      %convert_element_type3A_91 = arith.extui %lt3A_90 : i1 to i32
      %cond3A_92 = arith.constant 0 : i32
      %cond3A_93 = arith.cmpi ne, %convert_element_type3A_91, %cond3A_92 : i32
      scf.if %cond3A_93 {
        %get3A_109 = arith.constant 4 : index
        %get3A_110 = arith.constant 0 : index
        %get3A_111 = vector.load %arg0[%get3A_109, %get3A_110] : memref<8x512xf32, #tpu.memory_space<vmem>>, vector<1x512xf32>
        %get3A_112 = arith.constant 4 : index
        %get3A_113 = arith.constant 0 : index
        %get3A_114 = vector.load %arg1[%get3A_112, %get3A_113] : memref<8x512xf32, #tpu.memory_space<vmem>>, vector<1x512xf32>
        %get3A_115 = arith.constant 4 : index
        %get3A_116 = arith.constant 0 : index
        %get3A_117 = vector.load %arg2[%get3A_115, %get3A_116] : memref<8x512xf32, #tpu.memory_space<vmem>>, vector<1x512xf32>
        %get3A_118 = arith.constant 4 : index
        %get3A_119 = arith.constant 0 : index
        %get3A_120 = vector.load %arg3[%get3A_118, %get3A_119] : memref<8x512xf32, #tpu.memory_space<vmem>>, vector<1x512xf32>
        %get3A_121 = arith.constant 4 : index
        %get3A_122 = arith.constant 0 : index
        %get3A_123 = vector.load %arg4[%get3A_121, %get3A_122] : memref<8x512xf32, #tpu.memory_space<vmem>>, vector<1x512xf32>
        %min3A_124 = vector.broadcast %get3A_114 : vector<1x512xf32> to vector<512x512xf32>
        %min3A_125 = arith.minimumf %broadcast_in_dim3A_28, %min3A_124 : vector<512x512xf32>
        %max3A_126 = vector.broadcast %get3A_111 : vector<1x512xf32> to vector<512x512xf32>
        %max3A_127 = arith.maximumf %broadcast_in_dim3A_76, %max3A_126 : vector<512x512xf32>
        %sub3A_128 = arith.subf %min3A_125, %max3A_127 : vector<512x512xf32>
        %max3A_129 = arith.constant 0.000000e+00 : f32
        %max3A_130 = vector.broadcast %max3A_129 : f32 to vector<512x512xf32>
        %max3A_131 = arith.maximumf %sub3A_128, %max3A_130 : vector<512x512xf32>
        %min3A_132 = vector.broadcast %get3A_120 : vector<1x512xf32> to vector<512x512xf32>
        %min3A_133 = arith.minimumf %broadcast_in_dim3A_34, %min3A_132 : vector<512x512xf32>
        %max3A_134 = vector.broadcast %get3A_117 : vector<1x512xf32> to vector<512x512xf32>
        %max3A_135 = arith.maximumf %broadcast_in_dim3A_31, %max3A_134 : vector<512x512xf32>
        %sub3A_136 = arith.subf %min3A_133, %max3A_135 : vector<512x512xf32>
        %max3A_137 = arith.constant 0.000000e+00 : f32
        %max3A_138 = vector.broadcast %max3A_137 : f32 to vector<512x512xf32>
        %max3A_139 = arith.maximumf %sub3A_136, %max3A_138 : vector<512x512xf32>
        %mul3A_140 = arith.mulf %max3A_131, %max3A_139 : vector<512x512xf32>
        %add3A_141 = vector.broadcast %get3A_123 : vector<1x512xf32> to vector<512x512xf32>
        %add3A_142 = arith.addf %broadcast_in_dim3A_37, %add3A_141 : vector<512x512xf32>
        %sub3A_143 = arith.subf %add3A_142, %mul3A_140 : vector<512x512xf32>
        %max3A_144 = arith.constant 9.99999997E-7 : f32
        %max3A_145 = vector.broadcast %max3A_144 : f32 to vector<512x512xf32>
        %max3A_146 = arith.maximumf %sub3A_143, %max3A_145 : vector<512x512xf32>
        %div3A_147 = arith.divf %mul3A_140, %max3A_146 : vector<512x512xf32>
        %reduce_max3A = arith.constant dense<0xFF800000> : vector<512xf32>
        %reduce_max3A_148 = vector.multi_reduction <maximumf>, %div3A_147, %reduce_max3A [0] : vector<512x512xf32> to vector<512xf32>
        %broadcast_in_dim3A_149 = vector.shape_cast %reduce_max3A_148 : vector<512xf32> to vector<1x512xf32>
        %gt3A_150 = arith.constant 5.000000e-01 : f32
        %gt3A_151 = vector.broadcast %gt3A_150 : f32 to vector<1x512xf32>
        %gt3A_152 = arith.cmpf ogt, %broadcast_in_dim3A_149, %gt3A_151 : vector<1x512xf32>
        %get3A_153 = arith.constant 4 : index
        %get3A_154 = arith.constant 0 : index
        %get3A_155 = vector.load %arg6[%get3A_153, %get3A_154] : memref<8x512xf32, #tpu.memory_space<vmem>>, vector<1x512xf32>
        %jit3A_156 = arith.constant 0.000000e+00 : f32
        %broadcast_in_dim3A_157 = vector.broadcast %jit3A_156 : f32 to vector<1x512xf32>
        %select_n3A_158 = arith.select %gt3A_152, %broadcast_in_dim3A_157, %get3A_155 : vector<1x512xi1>, vector<1x512xf32>
        %swap3A_159 = arith.constant 4 : index
        %swap3A_160 = arith.constant 0 : index
        %swap3A_161 = vector.load %arg6[%swap3A_159, %swap3A_160] : memref<8x512xf32, #tpu.memory_space<vmem>>, vector<1x512xf32>
        tpu.vector_store %arg6[%swap3A_159, %swap3A_160], %select_n3A_158 {strides = array<i32>} : memref<8x512xf32, #tpu.memory_space<vmem>>, vector<1x512xf32>,
      } else {
      }
      %lt3A_94 = arith.constant 5 : i32
      %lt3A_95 = arith.cmpi slt, %scan3A_9, %lt3A_94 : i32
      %convert_element_type3A_96 = arith.extui %lt3A_95 : i1 to i32
      %cond3A_97 = arith.constant 0 : i32
      %cond3A_98 = arith.cmpi ne, %convert_element_type3A_96, %cond3A_97 : i32
      scf.if %cond3A_98 {
        %get3A_109 = arith.constant 5 : index
        %get3A_110 = arith.constant 0 : index
        %get3A_111 = vector.load %arg0[%get3A_109, %get3A_110] : memref<8x512xf32, #tpu.memory_space<vmem>>, vector<1x512xf32>
        %get3A_112 = arith.constant 5 : index
        %get3A_113 = arith.constant 0 : index
        %get3A_114 = vector.load %arg1[%get3A_112, %get3A_113] : memref<8x512xf32, #tpu.memory_space<vmem>>, vector<1x512xf32>
        %get3A_115 = arith.constant 5 : index
        %get3A_116 = arith.constant 0 : index
        %get3A_117 = vector.load %arg2[%get3A_115, %get3A_116] : memref<8x512xf32, #tpu.memory_space<vmem>>, vector<1x512xf32>
        %get3A_118 = arith.constant 5 : index
        %get3A_119 = arith.constant 0 : index
        %get3A_120 = vector.load %arg3[%get3A_118, %get3A_119] : memref<8x512xf32, #tpu.memory_space<vmem>>, vector<1x512xf32>
        %get3A_121 = arith.constant 5 : index
        %get3A_122 = arith.constant 0 : index
        %get3A_123 = vector.load %arg4[%get3A_121, %get3A_122] : memref<8x512xf32, #tpu.memory_space<vmem>>, vector<1x512xf32>
        %min3A_124 = vector.broadcast %get3A_114 : vector<1x512xf32> to vector<512x512xf32>
        %min3A_125 = arith.minimumf %broadcast_in_dim3A_28, %min3A_124 : vector<512x512xf32>
        %max3A_126 = vector.broadcast %get3A_111 : vector<1x512xf32> to vector<512x512xf32>
        %max3A_127 = arith.maximumf %broadcast_in_dim3A_76, %max3A_126 : vector<512x512xf32>
        %sub3A_128 = arith.subf %min3A_125, %max3A_127 : vector<512x512xf32>
        %max3A_129 = arith.constant 0.000000e+00 : f32
        %max3A_130 = vector.broadcast %max3A_129 : f32 to vector<512x512xf32>
        %max3A_131 = arith.maximumf %sub3A_128, %max3A_130 : vector<512x512xf32>
        %min3A_132 = vector.broadcast %get3A_120 : vector<1x512xf32> to vector<512x512xf32>
        %min3A_133 = arith.minimumf %broadcast_in_dim3A_34, %min3A_132 : vector<512x512xf32>
        %max3A_134 = vector.broadcast %get3A_117 : vector<1x512xf32> to vector<512x512xf32>
        %max3A_135 = arith.maximumf %broadcast_in_dim3A_31, %max3A_134 : vector<512x512xf32>
        %sub3A_136 = arith.subf %min3A_133, %max3A_135 : vector<512x512xf32>
        %max3A_137 = arith.constant 0.000000e+00 : f32
        %max3A_138 = vector.broadcast %max3A_137 : f32 to vector<512x512xf32>
        %max3A_139 = arith.maximumf %sub3A_136, %max3A_138 : vector<512x512xf32>
        %mul3A_140 = arith.mulf %max3A_131, %max3A_139 : vector<512x512xf32>
        %add3A_141 = vector.broadcast %get3A_123 : vector<1x512xf32> to vector<512x512xf32>
        %add3A_142 = arith.addf %broadcast_in_dim3A_37, %add3A_141 : vector<512x512xf32>
        %sub3A_143 = arith.subf %add3A_142, %mul3A_140 : vector<512x512xf32>
        %max3A_144 = arith.constant 9.99999997E-7 : f32
        %max3A_145 = vector.broadcast %max3A_144 : f32 to vector<512x512xf32>
        %max3A_146 = arith.maximumf %sub3A_143, %max3A_145 : vector<512x512xf32>
        %div3A_147 = arith.divf %mul3A_140, %max3A_146 : vector<512x512xf32>
        %reduce_max3A = arith.constant dense<0xFF800000> : vector<512xf32>
        %reduce_max3A_148 = vector.multi_reduction <maximumf>, %div3A_147, %reduce_max3A [0] : vector<512x512xf32> to vector<512xf32>
        %broadcast_in_dim3A_149 = vector.shape_cast %reduce_max3A_148 : vector<512xf32> to vector<1x512xf32>
        %gt3A_150 = arith.constant 5.000000e-01 : f32
        %gt3A_151 = vector.broadcast %gt3A_150 : f32 to vector<1x512xf32>
        %gt3A_152 = arith.cmpf ogt, %broadcast_in_dim3A_149, %gt3A_151 : vector<1x512xf32>
        %get3A_153 = arith.constant 5 : index
        %get3A_154 = arith.constant 0 : index
        %get3A_155 = vector.load %arg6[%get3A_153, %get3A_154] : memref<8x512xf32, #tpu.memory_space<vmem>>, vector<1x512xf32>
        %jit3A_156 = arith.constant 0.000000e+00 : f32
        %broadcast_in_dim3A_157 = vector.broadcast %jit3A_156 : f32 to vector<1x512xf32>
        %select_n3A_158 = arith.select %gt3A_152, %broadcast_in_dim3A_157, %get3A_155 : vector<1x512xi1>, vector<1x512xf32>
        %swap3A_159 = arith.constant 5 : index
        %swap3A_160 = arith.constant 0 : index
        %swap3A_161 = vector.load %arg6[%swap3A_159, %swap3A_160] : memref<8x512xf32, #tpu.memory_space<vmem>>, vector<1x512xf32>
        tpu.vector_store %arg6[%swap3A_159, %swap3A_160], %select_n3A_158 {strides = array<i32>} : memref<8x512xf32, #tpu.memory_space<vmem>>, vector<1x512xf32>,
      } else {
      }
      %lt3A_99 = arith.constant 6 : i32
      %lt3A_100 = arith.cmpi slt, %scan3A_9, %lt3A_99 : i32
      %convert_element_type3A_101 = arith.extui %lt3A_100 : i1 to i32
      %cond3A_102 = arith.constant 0 : i32
      %cond3A_103 = arith.cmpi ne, %convert_element_type3A_101, %cond3A_102 : i32
      scf.if %cond3A_103 {
        %get3A_109 = arith.constant 6 : index
        %get3A_110 = arith.constant 0 : index
        %get3A_111 = vector.load %arg0[%get3A_109, %get3A_110] : memref<8x512xf32, #tpu.memory_space<vmem>>, vector<1x512xf32>
        %get3A_112 = arith.constant 6 : index
        %get3A_113 = arith.constant 0 : index
        %get3A_114 = vector.load %arg1[%get3A_112, %get3A_113] : memref<8x512xf32, #tpu.memory_space<vmem>>, vector<1x512xf32>
        %get3A_115 = arith.constant 6 : index
        %get3A_116 = arith.constant 0 : index
        %get3A_117 = vector.load %arg2[%get3A_115, %get3A_116] : memref<8x512xf32, #tpu.memory_space<vmem>>, vector<1x512xf32>
        %get3A_118 = arith.constant 6 : index
        %get3A_119 = arith.constant 0 : index
        %get3A_120 = vector.load %arg3[%get3A_118, %get3A_119] : memref<8x512xf32, #tpu.memory_space<vmem>>, vector<1x512xf32>
        %get3A_121 = arith.constant 6 : index
        %get3A_122 = arith.constant 0 : index
        %get3A_123 = vector.load %arg4[%get3A_121, %get3A_122] : memref<8x512xf32, #tpu.memory_space<vmem>>, vector<1x512xf32>
        %min3A_124 = vector.broadcast %get3A_114 : vector<1x512xf32> to vector<512x512xf32>
        %min3A_125 = arith.minimumf %broadcast_in_dim3A_28, %min3A_124 : vector<512x512xf32>
        %max3A_126 = vector.broadcast %get3A_111 : vector<1x512xf32> to vector<512x512xf32>
        %max3A_127 = arith.maximumf %broadcast_in_dim3A_76, %max3A_126 : vector<512x512xf32>
        %sub3A_128 = arith.subf %min3A_125, %max3A_127 : vector<512x512xf32>
        %max3A_129 = arith.constant 0.000000e+00 : f32
        %max3A_130 = vector.broadcast %max3A_129 : f32 to vector<512x512xf32>
        %max3A_131 = arith.maximumf %sub3A_128, %max3A_130 : vector<512x512xf32>
        %min3A_132 = vector.broadcast %get3A_120 : vector<1x512xf32> to vector<512x512xf32>
        %min3A_133 = arith.minimumf %broadcast_in_dim3A_34, %min3A_132 : vector<512x512xf32>
        %max3A_134 = vector.broadcast %get3A_117 : vector<1x512xf32> to vector<512x512xf32>
        %max3A_135 = arith.maximumf %broadcast_in_dim3A_31, %max3A_134 : vector<512x512xf32>
        %sub3A_136 = arith.subf %min3A_133, %max3A_135 : vector<512x512xf32>
        %max3A_137 = arith.constant 0.000000e+00 : f32
        %max3A_138 = vector.broadcast %max3A_137 : f32 to vector<512x512xf32>
        %max3A_139 = arith.maximumf %sub3A_136, %max3A_138 : vector<512x512xf32>
        %mul3A_140 = arith.mulf %max3A_131, %max3A_139 : vector<512x512xf32>
        %add3A_141 = vector.broadcast %get3A_123 : vector<1x512xf32> to vector<512x512xf32>
        %add3A_142 = arith.addf %broadcast_in_dim3A_37, %add3A_141 : vector<512x512xf32>
        %sub3A_143 = arith.subf %add3A_142, %mul3A_140 : vector<512x512xf32>
        %max3A_144 = arith.constant 9.99999997E-7 : f32
        %max3A_145 = vector.broadcast %max3A_144 : f32 to vector<512x512xf32>
        %max3A_146 = arith.maximumf %sub3A_143, %max3A_145 : vector<512x512xf32>
        %div3A_147 = arith.divf %mul3A_140, %max3A_146 : vector<512x512xf32>
        %reduce_max3A = arith.constant dense<0xFF800000> : vector<512xf32>
        %reduce_max3A_148 = vector.multi_reduction <maximumf>, %div3A_147, %reduce_max3A [0] : vector<512x512xf32> to vector<512xf32>
        %broadcast_in_dim3A_149 = vector.shape_cast %reduce_max3A_148 : vector<512xf32> to vector<1x512xf32>
        %gt3A_150 = arith.constant 5.000000e-01 : f32
        %gt3A_151 = vector.broadcast %gt3A_150 : f32 to vector<1x512xf32>
        %gt3A_152 = arith.cmpf ogt, %broadcast_in_dim3A_149, %gt3A_151 : vector<1x512xf32>
        %get3A_153 = arith.constant 6 : index
        %get3A_154 = arith.constant 0 : index
        %get3A_155 = vector.load %arg6[%get3A_153, %get3A_154] : memref<8x512xf32, #tpu.memory_space<vmem>>, vector<1x512xf32>
        %jit3A_156 = arith.constant 0.000000e+00 : f32
        %broadcast_in_dim3A_157 = vector.broadcast %jit3A_156 : f32 to vector<1x512xf32>
        %select_n3A_158 = arith.select %gt3A_152, %broadcast_in_dim3A_157, %get3A_155 : vector<1x512xi1>, vector<1x512xf32>
        %swap3A_159 = arith.constant 6 : index
        %swap3A_160 = arith.constant 0 : index
        %swap3A_161 = vector.load %arg6[%swap3A_159, %swap3A_160] : memref<8x512xf32, #tpu.memory_space<vmem>>, vector<1x512xf32>
        tpu.vector_store %arg6[%swap3A_159, %swap3A_160], %select_n3A_158 {strides = array<i32>} : memref<8x512xf32, #tpu.memory_space<vmem>>, vector<1x512xf32>,
      } else {
      }
      %lt3A_104 = arith.constant 7 : i32
      %lt3A_105 = arith.cmpi slt, %scan3A_9, %lt3A_104 : i32
      %convert_element_type3A_106 = arith.extui %lt3A_105 : i1 to i32
      %cond3A_107 = arith.constant 0 : i32
      %cond3A_108 = arith.cmpi ne, %convert_element_type3A_106, %cond3A_107 : i32
      scf.if %cond3A_108 {
        %get3A_109 = arith.constant 7 : index
        %get3A_110 = arith.constant 0 : index
        %get3A_111 = vector.load %arg0[%get3A_109, %get3A_110] : memref<8x512xf32, #tpu.memory_space<vmem>>, vector<1x512xf32>
        %get3A_112 = arith.constant 7 : index
        %get3A_113 = arith.constant 0 : index
        %get3A_114 = vector.load %arg1[%get3A_112, %get3A_113] : memref<8x512xf32, #tpu.memory_space<vmem>>, vector<1x512xf32>
        %get3A_115 = arith.constant 7 : index
        %get3A_116 = arith.constant 0 : index
        %get3A_117 = vector.load %arg2[%get3A_115, %get3A_116] : memref<8x512xf32, #tpu.memory_space<vmem>>, vector<1x512xf32>
        %get3A_118 = arith.constant 7 : index
        %get3A_119 = arith.constant 0 : index
        %get3A_120 = vector.load %arg3[%get3A_118, %get3A_119] : memref<8x512xf32, #tpu.memory_space<vmem>>, vector<1x512xf32>
        %get3A_121 = arith.constant 7 : index
        %get3A_122 = arith.constant 0 : index
        %get3A_123 = vector.load %arg4[%get3A_121, %get3A_122] : memref<8x512xf32, #tpu.memory_space<vmem>>, vector<1x512xf32>
        %min3A_124 = vector.broadcast %get3A_114 : vector<1x512xf32> to vector<512x512xf32>
        %min3A_125 = arith.minimumf %broadcast_in_dim3A_28, %min3A_124 : vector<512x512xf32>
        %max3A_126 = vector.broadcast %get3A_111 : vector<1x512xf32> to vector<512x512xf32>
        %max3A_127 = arith.maximumf %broadcast_in_dim3A_76, %max3A_126 : vector<512x512xf32>
        %sub3A_128 = arith.subf %min3A_125, %max3A_127 : vector<512x512xf32>
        %max3A_129 = arith.constant 0.000000e+00 : f32
        %max3A_130 = vector.broadcast %max3A_129 : f32 to vector<512x512xf32>
        %max3A_131 = arith.maximumf %sub3A_128, %max3A_130 : vector<512x512xf32>
        %min3A_132 = vector.broadcast %get3A_120 : vector<1x512xf32> to vector<512x512xf32>
        %min3A_133 = arith.minimumf %broadcast_in_dim3A_34, %min3A_132 : vector<512x512xf32>
        %max3A_134 = vector.broadcast %get3A_117 : vector<1x512xf32> to vector<512x512xf32>
        %max3A_135 = arith.maximumf %broadcast_in_dim3A_31, %max3A_134 : vector<512x512xf32>
        %sub3A_136 = arith.subf %min3A_133, %max3A_135 : vector<512x512xf32>
        %max3A_137 = arith.constant 0.000000e+00 : f32
        %max3A_138 = vector.broadcast %max3A_137 : f32 to vector<512x512xf32>
        %max3A_139 = arith.maximumf %sub3A_136, %max3A_138 : vector<512x512xf32>
        %mul3A_140 = arith.mulf %max3A_131, %max3A_139 : vector<512x512xf32>
        %add3A_141 = vector.broadcast %get3A_123 : vector<1x512xf32> to vector<512x512xf32>
        %add3A_142 = arith.addf %broadcast_in_dim3A_37, %add3A_141 : vector<512x512xf32>
        %sub3A_143 = arith.subf %add3A_142, %mul3A_140 : vector<512x512xf32>
        %max3A_144 = arith.constant 9.99999997E-7 : f32
        %max3A_145 = vector.broadcast %max3A_144 : f32 to vector<512x512xf32>
        %max3A_146 = arith.maximumf %sub3A_143, %max3A_145 : vector<512x512xf32>
        %div3A_147 = arith.divf %mul3A_140, %max3A_146 : vector<512x512xf32>
        %reduce_max3A = arith.constant dense<0xFF800000> : vector<512xf32>
        %reduce_max3A_148 = vector.multi_reduction <maximumf>, %div3A_147, %reduce_max3A [0] : vector<512x512xf32> to vector<512xf32>
        %broadcast_in_dim3A_149 = vector.shape_cast %reduce_max3A_148 : vector<512xf32> to vector<1x512xf32>
        %gt3A_150 = arith.constant 5.000000e-01 : f32
        %gt3A_151 = vector.broadcast %gt3A_150 : f32 to vector<1x512xf32>
        %gt3A_152 = arith.cmpf ogt, %broadcast_in_dim3A_149, %gt3A_151 : vector<1x512xf32>
        %get3A_153 = arith.constant 7 : index
        %get3A_154 = arith.constant 0 : index
        %get3A_155 = vector.load %arg6[%get3A_153, %get3A_154] : memref<8x512xf32, #tpu.memory_space<vmem>>, vector<1x512xf32>
        %jit3A_156 = arith.constant 0.000000e+00 : f32
        %broadcast_in_dim3A_157 = vector.broadcast %jit3A_156 : f32 to vector<1x512xf32>
        %select_n3A_158 = arith.select %gt3A_152, %broadcast_in_dim3A_157, %get3A_155 : vector<1x512xi1>, vector<1x512xf32>
        %swap3A_159 = arith.constant 7 : index
        %swap3A_160 = arith.constant 0 : index
        %swap3A_161 = vector.load %arg6[%swap3A_159, %swap3A_160] : memref<8x512xf32, #tpu.memory_space<vmem>>, vector<1x512xf32>
        tpu.vector_store %arg6[%swap3A_159, %swap3A_160], %select_n3A_158 {strides = array<i32>} : memref<8x512xf32, #tpu.memory_space<vmem>>, vector<1x512xf32>,
      } else {
      }
    }
    %scan3A_8 = arith.constant 8 : i32
    return
  }
}

</mosaic_0001>

<sc_bundles>
// kernel: gather_offload_async_start
scs
__scs_entry_jumppad:
0x0: {  	(pc) =	sbr.rel $0x88, $3  }
0x1: {  	(tag) =	ssettag $0x0;
	lr =	simm.s32 $0x1  }
0x2: {  	[smem:$0x3F9F] =	sst lr;
	_ =	strace $0xD0000000  }
0x3: {  	_ = 	snop  }
0x4: {  	_ = 	snop  }
0x5: {  	_ = 	snop  }
0x6: {  	_ = 	snop  }
0x7: {  	_ = 	snop  }
__scs_overlays_trampoline_lowered:
0x8: {  	[smem:$0x3FAE] =	sst s0  }
0x9: {  	[smem:$0x3FAF] =	sst s1  }
0xa: {  	[smem:$0x3FB0] =	sst s2  }
0xb: {  	[smem:$0x3FB1] =	sst s3  }
0xc: {  	[smem:$0x3FB2] =	sst s4  }
0xd: {  	[smem:$0x3FB3] =	sst s5  }
0xe: {  	[smem:$0x3FB4] =	sst s6  }
0xf: {  	[smem:$0x3FB5] =	sst s7  }
0x10: {  	[smem:$0x3FB6] =	sst s8  }
0x11: {  	[smem:$0x3FB7] =	sst s9;
	s0 =	simm.s32 @!p0 $0x0  }
0x12: {  	s1 =	sld [smem:$0x3F9D];
	s0 =	simm.s32 @p0 $0x1  }
0x13: {  	[smem:$0x3FB8] =	sst s0;
	s0 =	simm.s32 @!p1 $0x0  }
0x14: {  	s2 =	sld [smem:$0x3F9C];
	s0 =	simm.s32 @p1 $0x1  }
0x15: {  	[smem:$0x3FB9] =	sst s0;
	s0 =	simm.s32 @!p2 $0x0  }
0x16: {  	s3 =	sld [smem:$0x3FDB];
	s0 =	simm.s32 @p2 $0x1  }
0x17: {  	s4 =	simm.s32 $0x1BF5;
	[smem:$0x3FBB] =	sst s0  }
0x18: {  	s0 =	sld [smem:$0x3F9E];
	_ =	swait.ge [sflag:s4], $0x0  }
0x19: {  	s7 =	sld [smem:$0x3F9F]  }
0x1a: {  	s8 =	sadd.s32 $0xFFFFE003, lr  }
0x1b: {  	s9 =	sadd.s32 $0xFFFFFEF7, lr;
	s5 =	simm.s32 $0xFFFFFFFF;
	p2 =	slt.u32 s8, $0xFFFFF086  }
0x1c: {  	p1 =	slt.u32 s9, $0xF7A;
	s5 =	simm.s32 @!p2 $0x0  }
0x1d: {  	s5 =	simm.s32 @p1 $0x1;
	p0 =	seq.s32 s7, s2  }
0x1e: {  	s7 =	smul.u32 @!p0 $0xF7A, s2;
	p2 =	seq.s32 @!p0 s5, $0x0  }
0x1f: {  	s9 =	smul.u32 $0xF7A, s1;
	s8 =	simm.s32 @!p0 $0x1BF5;
	p2 =	por !p2, p0  }
0x20: {  	[sflag:s8] =	ssyncset.s32 @!p0 $0xFFFFF086;
	s6 =	sadd.s32 @!p0 s3, s7;
	s7 =	simm.s32 @!p0 $0x108  }
0x21: {  	s3 =	sadd.s32 s3, s9;
	s6 =	sadd.s32 @!p0 $0x88, s6;
	s7 =	simm.s32 @p2 $0x1082  }
0x22: {  	[simem:s7], [sflag:s8] =	dma.local @!p0 [hbm:s6], $0xF7A  }
0x23: {  	s9 =	sor.u32 $0xD0000000, s2;
	s6 =	simm.s32 $0x108;
	_ =	swait.ge @!p0 [sflag:s8], $0x0  }
0x24: {  	s3 =	sadd.s32 $0x88, s3;
	s6 =	simm.s32 @!p1 $0x1082;
	[sflag:s4] =	ssyncset.s32 $0xFFFFF086  }
0x25: {  	[simem:s6], [sflag:s4] =	dma.local [hbm:s3], $0xF7A  }
0x26: {  	[smem:$0x3F9F] =	sst s1;
	(tag) =	ssettag s2;
	_ =	strace s9  }
0x27: {  	s1 =	sld [smem:$0x3FAF]  }
0x28: {  	s2 =	sld [smem:$0x3FB0]  }
0x29: {  	s4 =	sld [smem:$0x3FB2]  }
0x2a: {  	p0 =	seq.s32 s5, $0x0;
	s5 =	sld [smem:$0x3FB3]  }
0x2b: {  	s6 =	sld [smem:$0x3FB4]  }
0x2c: {  	s7 =	sld [smem:$0x3FB5]  }
0x2d: {  	s3 =	simm.s32 $0x108;
	s8 =	sld [smem:$0x3FB6]  }
0x2e: {  	s3 =	simm.s32 @!p0 $0x1082;
	s9 =	sld [smem:$0x3FB7]  }
0x2f: {  	lr =	sadd.s32 s0, s3;
	s0 =	sld [smem:$0x3FAE]  }
0x30: {  	s3 =	sld [smem:$0x3FB1]  }
0x31: {  	[smem:$0x3FBA] =	sst s10  }
0x32: {  	s10 =	sld [smem:$0x3FB8];
	_ =	sdelay $0x3  }
0x33: {  	p0 =	seq.s32 s10, $0x1;
	s10 =	sld [smem:$0x3FBA];
	_ =	sdelay $0x3  }
0x34: {  	[smem:$0x3FBA] =	sst s10  }
0x35: {  	s10 =	sld [smem:$0x3FB9];
	_ =	sdelay $0x3  }
0x36: {  	p1 =	seq.s32 s10, $0x1;
	s10 =	sld [smem:$0x3FBA];
	_ =	sdelay $0x3  }
0x37: {  	[smem:$0x3FBA] =	sst s10  }
0x38: {  	s10 =	sld [smem:$0x3FBB]  }
0x39: {  	_ = 	snop;
	(pc) =	sbr.ind lr, $3  }
0x3a: {  	_ = 	snop  }
0x3b: {  	_ = 	snop  }
0x3c: {  	p2 =	seq.s32 s10, $0x1;
	s10 =	sld [smem:$0x3FBA]  }
0x3d: {  	_ =	shalt  }
0x3e: {  	_ =	shalt  }
0x3f: {  	_ =	shalt  }
0x40: {  	_ =	shalt  }
0x41: {  	_ =	shalt  }
0x42: {  	_ =	shalt  }
0x43: {  	_ =	shalt  }
0x44: {  	_ =	shalt  }
0x45: {  	_ =	shalt  }
0x46: {  	_ =	shalt  }
0x47: {  	_ =	shalt  }
0x48: {  	_ =	shalt  }
0x49: {  	_ =	shalt  }
0x4a: {  	_ =	shalt  }
0x4b: {  	_ =	shalt  }
0x4c: {  	_ =	shalt  }
0x4d: {  	_ =	shalt  }
0x4e: {  	_ =	shalt  }
0x4f: {  	_ =	shalt  }
0x50: {  	_ =	shalt  }
0x51: {  	_ =	shalt  }
0x52: {  	_ =	shalt  }
0x53: {  	_ =	shalt  }
0x54: {  	_ =	shalt  }
0x55: {  	_ =	shalt  }
0x56: {  	_ =	shalt  }
0x57: {  	_ =	shalt  }
0x58: {  	_ =	shalt  }
0x59: {  	_ =	shalt  }
0x5a: {  	_ =	shalt  }
0x5b: {  	_ =	shalt  }
0x5c: {  	_ =	shalt  }
0x5d: {  	_ =	shalt  }
0x5e: {  	_ =	shalt  }
0x5f: {  	_ =	shalt  }
0x60: {  	_ =	shalt  }
0x61: {  	_ =	shalt  }
0x62: {  	_ =	shalt  }
0x63: {  	_ =	shalt  }
0x64: {  	_ =	shalt  }
0x65: {  	_ =	shalt  }
0x66: {  	_ =	shalt  }
0x67: {  	_ =	shalt  }
0x68: {  	_ =	shalt  }
0x69: {  	_ =	shalt  }
0x6a: {  	_ =	shalt  }
0x6b: {  	_ =	shalt  }
0x6c: {  	_ =	shalt  }
0x6d: {  	_ =	shalt  }
0x6e: {  	_ =	shalt  }
0x6f: {  	_ =	shalt  }
0x70: {  	_ =	shalt  }
0x71: {  	_ =	shalt  }
0x72: {  	_ =	shalt  }
0x73: {  	_ =	shalt  }
0x74: {  	_ =	shalt  }
0x75: {  	_ =	shalt  }
0x76: {  	_ =	shalt  }
0x77: {  	_ =	shalt  }
0x78: {  	_ =	shalt  }
0x79: {  	_ =	shalt  }
0x7a: {  	_ =	shalt  }
0x7b: {  	_ =	shalt  }
0x7c: {  	_ =	shalt  }
0x7d: {  	_ =	shalt  }
0x7e: {  	_ =	shalt  }
0x7f: {  	_ =	shalt  }
0x80: {  	_ =	shalt  }
0x81: {  	_ =	shalt  }
0x82: {  	_ =	shalt  }
0x83: {  	_ =	shalt  }
0x84: {  	_ =	shalt  }
0x85: {  	_ =	shalt  }
0x86: {  	_ =	shalt  }
0x87: {  	_ =	shalt  }
.Lfunc_end0:
.L_simem_size_0:
called_computation_lowered:
.L_overlay_start_0:
0x88: {  	s2 =	sld [smem:$0x3FD9]  }
0x89: {  	s3 =	sld [smem:$0x3FFE];
	_ =	sdelay $0x1  }
0x8a: {  	s1 =	srdreg.scid  }
0x8b: {  	s0 =	sand.u32 $0x1, s1  }
0x8c: {  	s17 =	sshll.u32 s0, $0xA;
	s2 =	sadd.s32 s3, s2  }
0x8d: {  	s2 =	sadd.s32 s2, s17  }
0x8e: {  	[smem:$0x3FC6] =	sst s2  }
0x8f: {  	_ = 	snop  }
0x90: {  	s2 =	sld [smem:$0x3FD0];
	(tm) =	ssettm $0x1  }
0x91: {  	s18 =	sld [smem:$0x3FFB];
	_ =	sdelay $0x3  }
0x92: {  	_ =	strace s18  }
0x93: {  	s3 =	sld [smem:$0x3FFC];
	_ =	sdelay $0x3  }
0x94: {  	_ =	strace s3  }
0x95: {  	s3 =	sld [smem:$0x3FFD];
	_ =	sdelay $0x3  }
0x96: {  	_ =	strace s3  }
0x97: {  	_ =	strace $0x8FFFFFFF  }
0x98: {  	s19 =	sld [smem:$0x3FDB];
	_ =	sdelay $0x1  }
0x99: {  	s4 =	simm.s32 $_scs_section_size  }
0x9a: {  	s5 =	simm.s32 $_size__tile_overlayer_lowered;
	s6 =	simm.s32 $_tile_overlayer_lowered  }
0x9b: {  	s22 =	simm.s32 $0x1BFF;
	s21 =	sshll.u32 s6, $0x1;
	s3 =	sadd.s32 s4, s19  }
0x9c: {  	s7 =	simm.s32 $0x0;
	s20 =	sshll.u32 s5, $0x1;
	s5 =	sadd.s32 s21, s3  }
0x9d: {  	[timem:s7], [sflag:s22] =	dma.local [hbm:s5], s20  }
0x9e: {  	_ =	swait.ge [sflag:s22], s20  }
0x9f: {  	s4 =	ssub.s32 $0x0, s20;
	[sflag:s22] =	ssyncset.done $0x0  }
0xa0: {  	[sflag:s22] =	ssyncadd.s32 s4;
	_ =	sdelay $0x1  }
0xa1: {  	s23 =	simm.s32 $0x1B8B  }
0xa2: {  	_ =	swait.ge [sflag:s23], $0x1  }
0xa3: {  	[sflag:s23] =	ssyncset.done $0x0  }
0xa4: {  	s25 =	simm.s32 $0x1B8E;
	s24 =	sld [smem:$0x3FFE];
	[sflag:s23] =	ssyncadd.s32 $0xFFFFFFFF  }
0xa5: {  	s26 =	simm.s32 $execute0_lowered;
	[smem:$0x3FD2] =	sst s25  }
0xa6: {  	s5 =	sshll.u32 s26, $0x1;
	_ =	strace $0x80000046;
	[dreg:$0x1] =	wrdreg $0xFFFFFFFF  }
0xa7: {  	s28 =	simm.s32 $_size_execute0_lowered;
	s3 =	sadd.s32 s3, s5;
	[dreg:$0x0] =	wrdreg $0x0  }
0xa8: {  	s5 =	sshll.u32 s28, $0x1;
	[dreg:$0x2] =	wrdreg s3  }
0xa9: {  	[dreg:$0x3] =	wrdreg s5  }
0xaa: {  	[dreg:$0x4] =	wrdreg $0xC0  }
0xab: {  	_ =	task [dreg:s7], $0x5FFFF  }
0xac: {  	[dreg:$0x1] =	wrdreg $0xFFFFFFFF  }
0xad: {  	[dreg:$0x0] =	wrdreg $0x60  }
0xae: {  	[dreg:$0x2] =	wrdreg s24  }
0xaf: {  	[dreg:$0x3] =	wrdreg s2  }
0xb0: {  	[dreg:$0x4] =	wrdreg $0x9  }
0xb1: {  	_ =	task.clear_ibuf [dreg:s7], $0x5FFFF;
	_ =	strace $0x90000046  }
0xb2: {  	s29 =	simm.s32 $0x9;
	_ =	strace $0x80000048  }
0xb3: {  	_ =	swait.ge [sflag:s29], $0x1  }
0xb4: {  	[sflag:s29] =	ssyncadd.s32 $0xFFFFFFFF  }
0xb5: {  	_ =	strace $0x90000048  }
0xb6: {  	_ =	sfence  }
0xb7: {  	s30 =	sld [smem:$0x0];
	_ =	sdelay $0x2  }
0xb8: {  	s31 =	sshll.u32 s1, $0xD;
	s1 =	sshrl.u32 s1, $0x2  }
0xb9: {  	s3 =	sand.u32 $0x4000, s31;
	s1 =	sadd.s32 s1, s30  }
0xba: {  	s0 =	sor.u32 s3, s0;
	s1 =	sshll.u32 s1, $0x11  }
0xbb: {  	s0 =	sor.u32 s1, s0  }
0xbc: {  	s0 =	sadd.s32 $0x8F2B, s0  }
0xbd: {  	[sflag:s0] =	ssyncadd.remote.s32 $0x1  }
0xbe: {  	_ =	sfence.sel $0xFFFF  }
0xbf: {  	[dreg:$0x0] =	wrdreg $0xFFFFFFFF;
	(pc) =	sbr.abs _section_cstart, $3  }
0xc0: {  	[dreg:$0x1] =	wrdreg $0xFFFFFFFF  }
0xc1: {  	_ =	task.clear_ibuf [dreg:s7], $0x2FFFF;
	_ =	strace $0x9FFFFFFF  }
0xc2: {  	(tm) =	ssettm $0x7FFFFFFF  }
0xc3: {  	_ =	shalt  }
tec
execute0_lowered:
.L_overlay_start_1:
0x0: {  	(tag) =	ssettag $0x1  }
0x1: {  	s2 =	rddreg [dreg:$0x0]  }
0x2: {  	s3 =	rddreg [dreg:$0x1]  }
0x3: {  	s0 =	rddreg [dreg:$0x2];
	s1 =	srdreg.scid;
	_ =	strace $0x80000047  }
0x4: {  	s4 =	simm.s32 $0x1;
	s9 =	simm.s32 $0x3;
	s5 =	sshll.u32 s1, $0x4  }
.Ltmp0:
0x5: {  	s1 =	stileid.u32;
	s5 =	sand.u32 $0x10, s5;
	(pc) =	sbr.rel .LBB2_1-.Ltmp0, $4  }
0x6: {  	s12 =	simm.s32 $0x0;
	s10 =	simm.s32 $0x0;
	s6 =	sor.u32 s1, s5  }
0x7: {  	[sflag:s4] =	ssyncpa.u1 $0x0;
	s5 =	simm.s32 $0x2;
	s6 =	sshll.u32 s6, $0x7  }
0x8: {  	s7 =	sadd.s32 $0x4E200, s2;
	[sflag:s5] =	ssyncpa.u1 $0x0;
	s8 =	sadd.s32 $0x80, s6  }
0x9: {  	vm0 =	vmmov $0xff;
	vm1 =	vcmask $0x3F20;
	[sflag:s9] =	ssyncpa.u1 $0x0;
	s9 =	simm.s32 $0x80;
	s11 =	smov.u32 s6  }
.LBB2_9:
0xa: {  	p0 =	seq.s32 s10, $0x2  }
.Ltmp1:
0xb: {  	_ = 	snop;
	(pc) =	sbr.rel @p0 .LBB2_11-.Ltmp1, $1  }
0xc: {  	_ =	sdelay $0x3  }
.LBB2_10:
0xd: {  	s12 =	sadd.s32 $0x80, s11  }
0xe: {  	s13 =	smov.u32 s6;
	p0 =	slt.s32 s12, s8  }
0xf: {  	s13 =	smov.u32 @p0 s12  }
0x10: {  	s10 =	sadd.s32 $0x1, s10;
	s12 =	smov.u32 s11;
	s11 =	smov.u32 s13  }
.LBB2_1:
0x11: {  	p0 =	sne.s32 s10, $0x0  }
.Ltmp2:
0x12: {  	_ = 	snop;
	(pc) =	sbr.rel @!p0 .LBB2_2-.Ltmp2, $1  }
0x13: {  	_ =	sdelay $0x3  }
0x14: {  	s13 =	sand.u32 $0x1, s10  }
0x15: {  	p0 =	seq.s32 s13, $0x0  }
.Ltmp3:
0x16: {  	_ = 	snop;
	(pc) =	sbr.rel @p0 .LBB2_9-.Ltmp3, $1  }
0x17: {  	_ =	sdelay $0x3  }
0x18: {  	_ =	swait.ge [sflag:s5], $0x80  }
0x19: {  	[sflag:s5] =	ssyncset.done $0x0  }
0x1a: {  	s13 =	simm.s32 $0x0;
	[sflag:s5] =	ssyncadd.s32 $0xFFFFFF80  }
0x1b: {  	v0 =	vld.msk [tilespmem:s13+$0x80 ss:$0x1], $0xffff;
	_ =	sdelay $0x4  }
0x1c: {  	vm2 =	vgt.s32 v0, $0x0  }
0x1d: {  	v0 =	vnsel vm2, $0x0, v0  }
0x1e: {  	v0 =	vmin.u32 v0, $0x4E1F  }
0x1f: {  	v0 =	vshll.u32 v0, $0x4;
	_ =	sdelay $0x3  }
0x20: {  	s13 =	simm.s32 $0x4100  }
0x21: {  	[tilespmem:s13], [sflag:$0x1] =	stream.indirect_vreg.gather [hbm:s2], $0x80, v0, vm0, $0x38;
	[tilespmem:$0x8100] =	vst v63  }
0x22: {  	s14 =	simm.s32 $0x4500;
	s31 =	simm.s32 $0x10  }
0x23: {  	[tilespmem:s14], [sflag:$0x1] =	stream.indirect_vreg.gather [hbm:s2], $0x80, v0, vm1, $0x38;
	[tilespmem:$0x8100] =	vst v63  }
0x24: {  	s14 =	simm.s32 $0x80;
	v0 =	vld.msk [tilespmem:s31+$0x80 ss:$0x1], $0xffff  }
.LBB2_5:
0x25: {  	p0 =	sne.s32 s14, $0x1C0;
	_ =	sdelay $0x4  }
0x26: {  	vm2 =	vgt.s32 v0, $0x0  }
0x27: {  	v0 =	vnsel vm2, $0x0, v0  }
0x28: {  	v0 =	vmin.u32 v0, $0x4E1F  }
0x29: {  	v0 =	vshll.u32 v0, $0x4;
	_ =	sdelay $0x3  }
.Ltmp4:
0x2a: {  	s13 =	sadd.s32 $0x800, s13;
	(pc) =	sbr.rel @p0 .LBB2_5-.Ltmp4, $4  }
0x2b: {  	[tilespmem:s13], [sflag:$0x1] =	stream.indirect_vreg.gather [hbm:s2], $0x80, v0, vm0, $0x38;
	[tilespmem:$0x8100] =	vst v63  }
0x2c: {  	s15 =	sshra.s32 s14, $0x2;
	s16 =	sadd.s32 $0x400, s13  }
0x2d: {  	[tilespmem:s16], [sflag:$0x1] =	stream.indirect_vreg.gather [hbm:s2], $0x80, v0, vm1, $0x38;
	[tilespmem:$0x8100] =	vst v63  }
0x2e: {  	s14 =	sadd.s32 $0x40, s14;
	v0 =	vld.msk [tilespmem:s15+$0x80 ss:$0x1], $0xffff  }
0x2f: {  	_ =	sdelay $0x3  }
0x30: {  	vm2 =	vgt.s32 v0, $0x0  }
0x31: {  	v0 =	vnsel vm2, $0x0, v0  }
0x32: {  	v0 =	vmin.u32 v0, $0x4E1F  }
0x33: {  	v0 =	vshll.u32 v0, $0x4;
	_ =	sdelay $0x3  }
0x34: {  	s13 =	sadd.s32 $0x800, s13  }
0x35: {  	[tilespmem:s13], [sflag:$0x1] =	stream.indirect_vreg.gather [hbm:s2], $0x80, v0, vm0, $0x38;
	[tilespmem:$0x8100] =	vst v63  }
0x36: {  	s13 =	sadd.s32 $0x400, s13  }
0x37: {  	[tilespmem:s13], [sflag:$0x1] =	stream.indirect_vreg.gather [hbm:s2], $0x80, v0, vm1, $0x38;
	[tilespmem:$0x8100] =	vst v63  }
0x38: {  	s12 =	sshll.u32 s12, $0x4;
	s14 =	simm.s32 $0x80;
	_ =	swait.ge [sflag:s4], $0x4000  }
0x39: {  	s15 =	simm.s32 $0x4500;
	s12 =	sadd.s32 s12, s7;
	[sflag:s4] =	ssyncset.done $0x0  }
0x3a: {  	s16 =	sadd.s32 $0x0, s12;
	s13 =	simm.s32 $0x4100;
	[sflag:s4] =	ssyncadd.s32 $0xFFFFC000  }
.LBB2_7:
0x3b: {  	[hbm:s16] =	stream.linear.scatter [tilespmem:s13], [sflag:$0x3], $0x400, $0x38;
	[tilespmem:$0x8100] =	vst v63  }
0x3c: {  	s16 =	smov.u32 s14;
	s13 =	smov.u32 s15;
	p0 =	sne.s32 s14, $0x780  }
.Ltmp5:
0x3d: {  	s14 =	sadd.s32 $0x80, s14;
	(pc) =	sbr.rel @p0 .LBB2_7-.Ltmp5, $2  }
0x3e: {  	_ =	sdelay $0x2  }
0x3f: {  	s15 =	sadd.s32 $0x400, s15;
	s16 =	sadd.s32 s16, s12  }
.Ltmp6:
0x40: {  	(pc) =	sbr.rel .LBB2_9-.Ltmp6, $2  }
0x41: {  	_ =	sdelay $0x2  }
0x42: {  	[hbm:s16] =	stream.linear.scatter [tilespmem:s13], [sflag:$0x3], $0x400, $0x38;
	[tilespmem:$0x8100] =	vst v63  }
.LBB2_2:
.Ltmp7:
0x43: {  	(pc) =	sbr.rel .LBB2_10-.Ltmp7, $4  }
0x44: {  	_ = 	snop  }
0x45: {  	s12 =	sshrl.u32 s11, $0x3  }
0x46: {  	s13 =	sand.u32 $0x7, s11;
	s12 =	sadd.s32 s3, s12  }
0x47: {  	[tilespmem:s9], [sflag:$0x2] =	stream.linear.gather [hbm4b:s12+s13], $0x80, $0x38;
	[tilespmem:$0x8100] =	vst v63  }
.LBB2_11:
0x48: {  	s2 =	simm.s32 $0x3  }
0x49: {  	_ =	swait.ge [sflag:s2], $0x4000  }
0x4a: {  	[sflag:s2] =	ssyncset.done $0x0  }
0x4b: {  	[sflag:s2] =	ssyncadd.s32 $0xFFFFC000  }
0x4c: {  	_ =	sfence.sel $0x180000  }
0x4d: {  	s3 =	simm.s32 $0x2;
	[bflag:$0x0] =	sbarrier.arrive $0xFFFF  }
0x4e: {  	[sflag:s3] =	ssyncpa.u1 $0x1  }
0x4f: {  	s31 =	simm.s32 $0x1;
	[sflag:s2] =	ssyncpa.u1 $0x1  }
0x50: {  	[sflag:s31] =	ssyncpa.u1 $0x1  }
0x51: {  	p0 =	sne.s32 s1, $0x0;
	_ =	strace $0x90000047  }
0x52: {  	s0 =	sadd.s32 @!p0 $0x100000, s0;
	[bflag:$0x2] =	sbarrier.arrive $0xFFFF  }
0x53: {  	[sflag:s0] =	ssyncadd.tile.s32 @!p0 $0x1;
	_ =	shalt  }
.Lfunc_end2:
_tile_overlayer_lowered:
.L_overlay_start_2:
0x54: {  	(tag) =	ssettag $0x2  }
0x55: {  	s0 =	rddreg [dreg:$0x0];
	s2 =	stileid.u32  }
0x56: {  	s1 =	rddreg [dreg:$0x1];
	p0 =	sne.s32 s2, $0x0  }
0x57: {  	s3 =	rddreg [dreg:$0x2];
	[bflag:$0x3] =	sbarrier.arrive $0xFFFF;
	s2 =	simm.s32 @!p0 $0x1C01  }
0x58: {  	[timem:s3], [sflag:s2] =	dma.local @!p0 [hbm:s0], s1  }
0x59: {  	s0 =	simm.s32 @!p0 $0x1  }
0x5a: {  	_ =	swait.ge @!p0 [sflag:s0], s1  }
0x5b: {  	s1 =	ssub.s32 @!p0 $0x0, s1;
	[sflag:s0] =	ssyncset.done @!p0 $0x0  }
0x5c: {  	[sflag:s0] =	ssyncadd.s32 @!p0 s1  }
0x5d: {  	[bflag:$0x3] =	sbarrier.arrive $0xFFFF  }
0x5e: {  	_ =	shalt  }

</sc_bundles>
